<compile_context>
chip_gen: v7x
topology: tpu7x:2x2x1
jax: 0.10.2.dev20260603
libtpu: 0.0.44.dev20260713+nightly
codegen_flags: <defaults>
</compile_context>

<pallas_src>
import functools
import math

import jax
import jax.numpy as jnp
from jax import lax
from jax.experimental import pallas as pl
from jax.experimental.pallas import tpu as pltpu
from jax.experimental.pallas import tpu_sc as plsc

_NC = 2
_NS = 16
_L = 16
_NW = _NC * _NS


def _sc_gather(neuron_regions, region_emb, r_map):
    B, N = neuron_regions.shape
    D = region_emb.shape[1]
    n_regions = r_map.shape[0]
    wpb = _NW // B
    per = N // wpb
    mesh = plsc.VectorSubcoreMesh(core_axis_name="c", subcore_axis_name="s")

    @functools.partial(
        pl.kernel,
        out_type=(jax.ShapeDtypeStruct((B, N, D), jnp.float32),
                  jax.ShapeDtypeStruct((B, 1, N), jnp.int32)),
        mesh=mesh,
        scratch_types=[
            pltpu.VMEM((per,), jnp.int32),
            pltpu.VMEM((per, D), jnp.float32),
            pltpu.VMEM((n_regions,), jnp.int32),
            pltpu.VMEM((per,), jnp.int32),
            pltpu.SemaphoreType.DMA,
            pltpu.SemaphoreType.DMA,
            pltpu.SemaphoreType.DMA,
        ],
        compiler_params=pltpu.CompilerParams(needs_layout_passes=False),
    )
    def sc_body(nr_hbm, re_hbm, rmap_hbm, g_hbm, lr_hbm,
                idx_v, rows_v, rmap_v, lr_v, sem_a, sem_b, sem_c):
        wid = lax.axis_index("s") * _NC + lax.axis_index("c")
        bb = wid // wpb
        off = (wid - bb * wpb) * per
        cp_idx = pltpu.async_copy(nr_hbm.at[bb, pl.ds(off, per)],
                                  idx_v, sem_a)
        cp_rm = pltpu.async_copy(rmap_hbm, rmap_v, sem_b)
        cp_idx.wait()
        pltpu.async_copy(re_hbm.at[idx_v], rows_v, sem_c).wait()
        cp_g = pltpu.async_copy(rows_v, g_hbm.at[bb, pl.ds(off, per)],
                                sem_a)
        cp_rm.wait()
        for i in range(per // _L):
            idx = idx_v[pl.ds(i * _L, _L)]
            lr_v[pl.ds(i * _L, _L)] = plsc.load_gather(rmap_v, [idx])
        pltpu.async_copy(lr_v, lr_hbm.at[bb, 0, pl.ds(off, per)],
                         sem_b).wait()
        cp_g.wait()

    return sc_body(neuron_regions, region_emb, r_map)


def _decoder_body(u_ref, g_ref, lr_ref, eids_ref, ns_ref, ee_ref,
                  lng_ref, lnb_ref, w1_ref, b1_ref, w2_ref, b2_ref, out_ref):
    f32 = jnp.float32
    _, T, R, Ds = u_ref.shape
    N = lr_ref.shape[2]
    n_eids = ee_ref.shape[0]
    d_id = ns_ref.shape[1]

    iota_r = lax.broadcasted_iota(jnp.int32, (R, N), 0)
    iota_eid = lax.broadcasted_iota(jnp.int32, (1, n_eids), 1)
    inv_sqrt2 = 1.0 / math.sqrt(2.0)
    lng = lng_ref[...].reshape(1, d_id)
    lnb = lnb_ref[...].reshape(1, d_id)
    b1r = b1_ref[...].reshape(1, -1)
    b2r = b2_ref[...].reshape(1, -1)

    b = pl.program_id(0)
    eid_oh = (eids_ref[b] == iota_eid).astype(f32)
    eid_row = jnp.dot(eid_oh, ee_ref[...], preferred_element_type=f32)

    e = ns_ref[...] + g_ref[0] + eid_row

    mu = jnp.mean(e, axis=1, keepdims=True)
    xc = e - mu
    var = jnp.mean(xc * xc, axis=1, keepdims=True)
    eh = xc * lax.rsqrt(var + 1e-5) * lng + lnb

    pre = jnp.dot(eh, w1_ref[...], preferred_element_type=f32) + b1r
    h = 0.5 * pre * (1.0 + lax.erf(pre * inv_sqrt2))
    wb = jnp.dot(h, w2_ref[...], preferred_element_type=f32) + b2r
    wbT = jnp.transpose(wb)
    wT = wbT[:Ds, :]
    biasT = wbT[Ds:Ds + 1, :]

    MT = (lr_ref[0] == iota_r).astype(f32)

    u_flat = u_ref[0].reshape(T * R, Ds)
    pall = jnp.dot(u_flat, wT, preferred_element_type=f32)
    pall3 = pall.reshape(T, R, N)
    acc = jnp.sum(pall3 * MT[None, :, :], axis=1)
    out_ref[0] = acc + biasT


def kernel(U, neuron_regions, eids, r_map, neuron_slot, region_emb, eid_emb,
           ln_g, ln_b, W1, b1, W2, b2):
    B, T, R, Ds = U.shape
    N = neuron_regions.shape[1]
    d_id = neuron_slot.shape[1]

    g, lr = _sc_gather(neuron_regions, region_emb, r_map)

    n_eids, _ = eid_emb.shape
    two_ds = W1.shape[1]
    pred = pl.pallas_call(
        _decoder_body,
        grid=(B,),
        out_shape=jax.ShapeDtypeStruct((B, T, N), jnp.float32),
        in_specs=[
            pl.BlockSpec((1, T, R, Ds), lambda b: (b, 0, 0, 0)),
            pl.BlockSpec((1, N, d_id), lambda b: (b, 0, 0)),
            pl.BlockSpec((1, 1, N), lambda b: (b, 0, 0)),
            pl.BlockSpec(memory_space=pltpu.SMEM),
            pl.BlockSpec((N, d_id), lambda b: (0, 0)),
            pl.BlockSpec((n_eids, d_id), lambda b: (0, 0)),
            pl.BlockSpec((d_id,), lambda b: (0,)),
            pl.BlockSpec((d_id,), lambda b: (0,)),
            pl.BlockSpec((d_id, two_ds), lambda b: (0, 0)),
            pl.BlockSpec((two_ds,), lambda b: (0,)),
            pl.BlockSpec((two_ds, Ds + 1), lambda b: (0, 0)),
            pl.BlockSpec((Ds + 1,), lambda b: (0,)),
        ],
        out_specs=pl.BlockSpec((1, T, N), lambda b: (b, 0, 0)),
    )(U, g, lr, eids, neuron_slot[:N], eid_emb, ln_g, ln_b, W1, b1, W2, b2)
    return pred

# --- scband reference (transcript-rebuilt; emitter-appended) ---
"""Pipeline reference for scband-hyper-neuron-decoder-25915832664665 (READ-ONLY COPY).

The authoritative reference and input builder live on the scoring server;
editing this copy changes nothing except your own understanding.
"""

import jax, jax.numpy as jnp
import numpy as np


def setup_inputs(seed: int = 0) -> dict:
    key = jax.random.key(seed)
    ks = jax.random.split(key, 12)
    B, T, R, Ds = 2, 64, 32, 128
    N = 2048
    d_id = 128
    max_neurons = 4096
    max_regions = 128
    max_eids = 256
    U = jax.random.normal(ks[0], (B, T, R, Ds), dtype=jnp.float32)
    neuron_regions = jax.random.randint(ks[1], (B, N), 0, max_regions).astype(jnp.int32)
    eids = jax.random.randint(ks[2], (B,), 0, max_eids).astype(jnp.int32)
    r_map = jax.random.randint(ks[3], (max_regions,), 0, R).astype(jnp.int32)
    neuron_slot = jax.random.normal(ks[4], (max_neurons, d_id), dtype=jnp.float32) * 0.02
    region_emb = jax.random.normal(ks[5], (max_regions, d_id), dtype=jnp.float32) * 0.02
    eid_emb = jax.random.normal(ks[6], (max_eids, d_id), dtype=jnp.float32) * 0.02
    ln_g = jnp.ones((d_id,), dtype=jnp.float32)
    ln_b = jnp.zeros((d_id,), dtype=jnp.float32)
    W1 = jax.random.normal(ks[7], (d_id, 2 * Ds), dtype=jnp.float32) * 0.05
    b1 = jnp.zeros((2 * Ds,), dtype=jnp.float32)
    W2 = jax.random.normal(ks[8], (2 * Ds, Ds + 1), dtype=jnp.float32) * 0.05
    b2 = jnp.zeros((Ds + 1,), dtype=jnp.float32)
    return {"U": U, "neuron_regions": neuron_regions, "eids": eids, "r_map": r_map,
            "neuron_slot": neuron_slot, "region_emb": region_emb, "eid_emb": eid_emb,
            "ln_g": ln_g, "ln_b": ln_b, "W1": W1, "b1": b1, "W2": W2, "b2": b2}


def reference(U, neuron_regions, eids, r_map, neuron_slot, region_emb, eid_emb, ln_g, ln_b, W1, b1, W2, b2):
    B, T, R, Ds = U.shape
    N = neuron_regions.shape[1]
    max_regions = region_emb.shape[0]
    max_eids = eid_emb.shape[0]
    # neuron slot embedding lookup (arange(N))
    e = jnp.broadcast_to(neuron_slot[:N][None, :, :], (B, N, neuron_slot.shape[1]))
    # region embedding lookup
    e = e + jnp.take(region_emb, jnp.clip(neuron_regions, 0, max_regions - 1), axis=0)
    # eid embedding lookup
    e = e + jnp.take(eid_emb, jnp.clip(eids, 0, max_eids - 1), axis=0)[:, None, :]
    # hypernet: LayerNorm -> Linear -> GELU -> Linear
    mu = jnp.mean(e, axis=-1, keepdims=True)
    var = jnp.var(e, axis=-1, keepdims=True)
    eh = (e - mu) / jnp.sqrt(var + 1e-5) * ln_g + ln_b
    h = jax.nn.gelu(eh @ W1 + b1, approximate=False)
    wb = h @ W2 + b2
    w = wb[..., :Ds]
    b = wb[..., Ds:]
    local_r = jnp.take(r_map, jnp.clip(neuron_regions, 0, r_map.shape[0] - 1), axis=0)
    local_r_safe = jnp.maximum(local_r, 0)
    idx_g = jnp.broadcast_to(local_r_safe[:, None, :, None], (B, T, N, Ds))
    U_neur = jnp.take_along_axis(U, idx_g, axis=2)
    pred = jnp.sum(U_neur * w[:, None, :, :], axis=-1) + b[:, None, :, 0]
    missing = local_r < 0
    pred = jnp.where(missing[:, None, :], jnp.zeros_like(pred), pred)
    return pred

if __name__ == "__main__":
    import jax
    _d = setup_inputs()
    print(jax.jit(kernel)(*tuple(_d.values())))

</pallas_src>

<mosaic_0001>
#map = affine_map<(d0, d1) -> (0, 0)>
#map1 = affine_map<(d0, d1) -> (0)>
#map2 = affine_map<(d0, d1) -> (0, 0, 0)>
module attributes {stable_mosaic.version = 14 : i64} {
  func.func @sc_body(%arg0: i32, %arg1: i32, %arg2: memref<2x2048xi32, #tpu.memory_space<hbm>>, %arg3: memref<128x128xf32, #tpu.memory_space<hbm>>, %arg4: memref<128xi32, #tpu.memory_space<hbm>>, %arg5: memref<2x2048x128xf32, #tpu.memory_space<hbm>>, %arg6: memref<2x1x2048xi32, #tpu.memory_space<hbm>>, %arg7: memref<128xi32, #tpu.memory_space<vmem>>, %arg8: memref<128x128xf32, #tpu.memory_space<vmem>>, %arg9: memref<128xi32, #tpu.memory_space<vmem>>, %arg10: memref<128xi32, #tpu.memory_space<vmem>>, %arg11: memref<!tpu.dma_semaphore, #tpu.memory_space<semaphore_mem>>, %arg12: memref<!tpu.dma_semaphore, #tpu.memory_space<semaphore_mem>>, %arg13: memref<!tpu.dma_semaphore, #tpu.memory_space<semaphore_mem>>) attributes {dimension_semantics = [#tpu.dimension_semantics<core_parallel>, #tpu.dimension_semantics<subcore_parallel>], iteration_bounds = array<i64: 2, 16>, scalar_prefetch = 0 : i64, scratch_operands = 7 : i64, tpu.core_type = #tpu.core_type<sc_vector_subcore>, window_params = [{transform_indices = #map}, {transform_indices = #map}, {transform_indices = #map1}, {transform_indices = #map2}, {transform_indices = #map2}]} {
    %mul3A = arith.constant 2 : i32
    %mul3A_0 = arith.muli %arg1, %mul3A : i32
    %add3A = arith.addi %mul3A_0, %arg0 : i32
    %jit3A = arith.constant 16 : i32
    %div3A = arith.divsi %add3A, %jit3A : i32
    %sign3A = arith.constant 0 : i32
    %sign3A_1 = arith.cmpi sgt, %add3A, %sign3A : i32
    %sign3A_2 = arith.extui %sign3A_1 : i1 to i32
    %sign3A_3 = arith.constant 0 : i32
    %sign3A_4 = arith.cmpi slt, %add3A, %sign3A_3 : i32
    %sign3A_5 = arith.extui %sign3A_4 : i1 to i32
    %sign3A_6 = arith.subi %sign3A_2, %sign3A_5 : i32
    %sign3A_7 = arith.constant 0 : i32
    %sign3A_8 = arith.cmpi sgt, %jit3A, %sign3A_7 : i32
    %sign3A_9 = arith.extui %sign3A_8 : i1 to i32
    %sign3A_10 = arith.constant 0 : i32
    %sign3A_11 = arith.cmpi slt, %jit3A, %sign3A_10 : i32
    %sign3A_12 = arith.extui %sign3A_11 : i1 to i32
    %sign3A_13 = arith.subi %sign3A_9, %sign3A_12 : i32
    %ne3A = arith.cmpi ne, %sign3A_6, %sign3A_13 : i32
    %rem3A = arith.remsi %add3A, %jit3A : i32
    %ne3A_14 = arith.constant 0 : i32
    %ne3A_15 = arith.cmpi ne, %rem3A, %ne3A_14 : i32
    %and3A = arith.andi %ne3A, %ne3A_15 : i1
    %sub3A = arith.constant 1 : i32
    %sub3A_16 = arith.subi %div3A, %sub3A : i32
    %select_n3A = arith.select %and3A, %sub3A_16, %div3A : i32
    %mul3A_17 = arith.constant 16 : i32
    %mul3A_18 = arith.muli %select_n3A, %mul3A_17 : i32
    %sub3A_19 = arith.subi %add3A, %mul3A_18 : i32
    %mul3A_20 = arith.constant 128 : i32
    %mul3A_21 = arith.muli %sub3A_19, %mul3A_20 : i32
    %dma_start3A = tpu.memref_slice %arg2[%select_n3A, %mul3A_21] : memref<2x2048xi32, #tpu.memory_space<hbm>> -> memref<1x128xi32, #tpu.memory_space<hbm>>
    %dma_start3A_22 = tpu.memref_squeeze %dma_start3A : memref<1x128xi32, #tpu.memory_space<hbm>> -> memref<128xi32, #tpu.memory_space<hbm>>
    %dma_start3A_23 = tpu.memref_slice %arg2[%select_n3A, %mul3A_21] : memref<2x2048xi32, #tpu.memory_space<hbm>> -> memref<1x128xi32, #tpu.memory_space<hbm>>
    %dma_start3A_24 = tpu.memref_squeeze %dma_start3A_23 : memref<1x128xi32, #tpu.memory_space<hbm>> -> memref<128xi32, #tpu.memory_space<hbm>>
    tpu.enqueue_dma source(%dma_start3A_24 : memref<128xi32, #tpu.memory_space<hbm>>) target(%arg7 : memref<128xi32, #tpu.memory_space<vmem>>) target_semaphore(%arg11 : memref<!tpu.dma_semaphore, #tpu.memory_space<semaphore_mem>>)
    tpu.enqueue_dma source(%arg4 : memref<128xi32, #tpu.memory_space<hbm>>) target(%arg9 : memref<128xi32, #tpu.memory_space<vmem>>) target_semaphore(%arg12 : memref<!tpu.dma_semaphore, #tpu.memory_space<semaphore_mem>>)
    %dma_wait3A = tpu.memref_slice %arg2[%select_n3A, %mul3A_21] : memref<2x2048xi32, #tpu.memory_space<hbm>> -> memref<1x128xi32, #tpu.memory_space<hbm>>
    %dma_wait3A_25 = tpu.memref_squeeze %dma_wait3A : memref<1x128xi32, #tpu.memory_space<hbm>> -> memref<128xi32, #tpu.memory_space<hbm>>
    %dma_wait3A_26 = tpu.memref_slice %arg2[%select_n3A, %mul3A_21] : memref<2x2048xi32, #tpu.memory_space<hbm>> -> memref<1x128xi32, #tpu.memory_space<hbm>>
    %dma_wait3A_27 = tpu.memref_squeeze %dma_wait3A_26 : memref<1x128xi32, #tpu.memory_space<hbm>> -> memref<128xi32, #tpu.memory_space<hbm>>
    tpu.wait_dma2 semaphore(%arg11 : memref<!tpu.dma_semaphore, #tpu.memory_space<semaphore_mem>>) src(%dma_wait3A_27 : memref<128xi32, #tpu.memory_space<hbm>>) dst(%arg7 : memref<128xi32, #tpu.memory_space<vmem>>)
    %dma_start3A_28 = arith.constant 0 : i32
    %dma_start3A_29 = arith.constant 0 : i32
    %dma_start3A_30 = tpu.memref_slice %arg3[%dma_start3A_28, %dma_start3A_29] : memref<128x128xf32, #tpu.memory_space<hbm>> -> memref<128x128xf32, #tpu.memory_space<hbm>>
    tpu.enqueue_indirect_dma source(%dma_start3A_30 : memref<128x128xf32, #tpu.memory_space<hbm>>) target(%arg8 : memref<128x128xf32, #tpu.memory_space<vmem>>) offsets(%arg7 : memref<128xi32, #tpu.memory_space<vmem>>) semaphore(%arg13 : memref<!tpu.dma_semaphore, #tpu.memory_space<semaphore_mem>>)
    %dma_wait3A_31 = arith.constant 0 : i32
    %dma_wait3A_32 = arith.constant 0 : i32
    %dma_wait3A_33 = tpu.memref_slice %arg3[%dma_wait3A_31, %dma_wait3A_32] : memref<128x128xf32, #tpu.memory_space<hbm>> -> memref<128x128xf32, #tpu.memory_space<hbm>>
    tpu.wait_indirect_dma semaphore(%arg13 : memref<!tpu.dma_semaphore, #tpu.memory_space<semaphore_mem>>) src(%dma_wait3A_33 : memref<128x128xf32, #tpu.memory_space<hbm>>) dst(%arg8 : memref<128x128xf32, #tpu.memory_space<vmem>>)
    %dma_start3A_34 = arith.constant 0 : i32
    %dma_start3A_35 = tpu.memref_slice %arg5[%select_n3A, %mul3A_21, %dma_start3A_34] : memref<2x2048x128xf32, #tpu.memory_space<hbm>> -> memref<1x128x128xf32, #tpu.memory_space<hbm>>
    %dma_start3A_36 = tpu.memref_squeeze %dma_start3A_35 : memref<1x128x128xf32, #tpu.memory_space<hbm>> -> memref<128x128xf32, #tpu.memory_space<hbm>>
    %dma_start3A_37 = arith.constant 0 : i32
    %dma_start3A_38 = tpu.memref_slice %arg5[%select_n3A, %mul3A_21, %dma_start3A_37] : memref<2x2048x128xf32, #tpu.memory_space<hbm>> -> memref<1x128x128xf32, #tpu.memory_space<hbm>>
    %dma_start3A_39 = tpu.memref_squeeze %dma_start3A_38 : memref<1x128x128xf32, #tpu.memory_space<hbm>> -> memref<128x128xf32, #tpu.memory_space<hbm>>
    tpu.enqueue_dma source(%arg8 : memref<128x128xf32, #tpu.memory_space<vmem>>) target(%dma_start3A_39 : memref<128x128xf32, #tpu.memory_space<hbm>>) target_semaphore(%arg11 : memref<!tpu.dma_semaphore, #tpu.memory_space<semaphore_mem>>)
    tpu.wait_dma2 semaphore(%arg12 : memref<!tpu.dma_semaphore, #tpu.memory_space<semaphore_mem>>) src(%arg4 : memref<128xi32, #tpu.memory_space<hbm>>) dst(%arg9 : memref<128xi32, #tpu.memory_space<vmem>>)
    %get3A = arith.constant 0 : index
    %get3A_40 = tpu.vector_load %arg7[%get3A] {strides = array<i32>} : memref<128xi32, #tpu.memory_space<vmem>>, vector<16xi32>,
    %gather3A = tpu.vector_load_idx %arg9[%get3A_40] : memref<128xi32, #tpu.memory_space<vmem>>[vector<16xi32>], vector<16xi32>,
    %swap3A = arith.constant 0 : index
    %swap3A_41 = tpu.vector_load %arg10[%swap3A] {strides = array<i32>} : memref<128xi32, #tpu.memory_space<vmem>>, vector<16xi32>,
    tpu.vector_store %arg10[%swap3A], %gather3A {strides = array<i32>} : memref<128xi32, #tpu.memory_space<vmem>>, vector<16xi32>,
    %get3A_42 = arith.constant 16 : index
    %get3A_43 = tpu.vector_load %arg7[%get3A_42] {strides = array<i32>} : memref<128xi32, #tpu.memory_space<vmem>>, vector<16xi32>,
    %gather3A_44 = tpu.vector_load_idx %arg9[%get3A_43] : memref<128xi32, #tpu.memory_space<vmem>>[vector<16xi32>], vector<16xi32>,
    %swap3A_45 = arith.constant 16 : index
    %swap3A_46 = tpu.vector_load %arg10[%swap3A_45] {strides = array<i32>} : memref<128xi32, #tpu.memory_space<vmem>>, vector<16xi32>,
    tpu.vector_store %arg10[%swap3A_45], %gather3A_44 {strides = array<i32>} : memref<128xi32, #tpu.memory_space<vmem>>, vector<16xi32>,
    %get3A_47 = arith.constant 32 : index
    %get3A_48 = tpu.vector_load %arg7[%get3A_47] {strides = array<i32>} : memref<128xi32, #tpu.memory_space<vmem>>, vector<16xi32>,
    %gather3A_49 = tpu.vector_load_idx %arg9[%get3A_48] : memref<128xi32, #tpu.memory_space<vmem>>[vector<16xi32>], vector<16xi32>,
    %swap3A_50 = arith.constant 32 : index
    %swap3A_51 = tpu.vector_load %arg10[%swap3A_50] {strides = array<i32>} : memref<128xi32, #tpu.memory_space<vmem>>, vector<16xi32>,
    tpu.vector_store %arg10[%swap3A_50], %gather3A_49 {strides = array<i32>} : memref<128xi32, #tpu.memory_space<vmem>>, vector<16xi32>,
    %get3A_52 = arith.constant 48 : index
    %get3A_53 = tpu.vector_load %arg7[%get3A_52] {strides = array<i32>} : memref<128xi32, #tpu.memory_space<vmem>>, vector<16xi32>,
    %gather3A_54 = tpu.vector_load_idx %arg9[%get3A_53] : memref<128xi32, #tpu.memory_space<vmem>>[vector<16xi32>], vector<16xi32>,
    %swap3A_55 = arith.constant 48 : index
    %swap3A_56 = tpu.vector_load %arg10[%swap3A_55] {strides = array<i32>} : memref<128xi32, #tpu.memory_space<vmem>>, vector<16xi32>,
    tpu.vector_store %arg10[%swap3A_55], %gather3A_54 {strides = array<i32>} : memref<128xi32, #tpu.memory_space<vmem>>, vector<16xi32>,
    %get3A_57 = arith.constant 64 : index
    %get3A_58 = tpu.vector_load %arg7[%get3A_57] {strides = array<i32>} : memref<128xi32, #tpu.memory_space<vmem>>, vector<16xi32>,
    %gather3A_59 = tpu.vector_load_idx %arg9[%get3A_58] : memref<128xi32, #tpu.memory_space<vmem>>[vector<16xi32>], vector<16xi32>,
    %swap3A_60 = arith.constant 64 : index
    %swap3A_61 = tpu.vector_load %arg10[%swap3A_60] {strides = array<i32>} : memref<128xi32, #tpu.memory_space<vmem>>, vector<16xi32>,
    tpu.vector_store %arg10[%swap3A_60], %gather3A_59 {strides = array<i32>} : memref<128xi32, #tpu.memory_space<vmem>>, vector<16xi32>,
    %get3A_62 = arith.constant 80 : index
    %get3A_63 = tpu.vector_load %arg7[%get3A_62] {strides = array<i32>} : memref<128xi32, #tpu.memory_space<vmem>>, vector<16xi32>,
    %gather3A_64 = tpu.vector_load_idx %arg9[%get3A_63] : memref<128xi32, #tpu.memory_space<vmem>>[vector<16xi32>], vector<16xi32>,
    %swap3A_65 = arith.constant 80 : index
    %swap3A_66 = tpu.vector_load %arg10[%swap3A_65] {strides = array<i32>} : memref<128xi32, #tpu.memory_space<vmem>>, vector<16xi32>,
    tpu.vector_store %arg10[%swap3A_65], %gather3A_64 {strides = array<i32>} : memref<128xi32, #tpu.memory_space<vmem>>, vector<16xi32>,
    %get3A_67 = arith.constant 96 : index
    %get3A_68 = tpu.vector_load %arg7[%get3A_67] {strides = array<i32>} : memref<128xi32, #tpu.memory_space<vmem>>, vector<16xi32>,
    %gather3A_69 = tpu.vector_load_idx %arg9[%get3A_68] : memref<128xi32, #tpu.memory_space<vmem>>[vector<16xi32>], vector<16xi32>,
    %swap3A_70 = arith.constant 96 : index
    %swap3A_71 = tpu.vector_load %arg10[%swap3A_70] {strides = array<i32>} : memref<128xi32, #tpu.memory_space<vmem>>, vector<16xi32>,
    tpu.vector_store %arg10[%swap3A_70], %gather3A_69 {strides = array<i32>} : memref<128xi32, #tpu.memory_space<vmem>>, vector<16xi32>,
    %get3A_72 = arith.constant 112 : index
    %get3A_73 = tpu.vector_load %arg7[%get3A_72] {strides = array<i32>} : memref<128xi32, #tpu.memory_space<vmem>>, vector<16xi32>,
    %gather3A_74 = tpu.vector_load_idx %arg9[%get3A_73] : memref<128xi32, #tpu.memory_space<vmem>>[vector<16xi32>], vector<16xi32>,
    %swap3A_75 = arith.constant 112 : index
    %swap3A_76 = tpu.vector_load %arg10[%swap3A_75] {strides = array<i32>} : memref<128xi32, #tpu.memory_space<vmem>>, vector<16xi32>,
    tpu.vector_store %arg10[%swap3A_75], %gather3A_74 {strides = array<i32>} : memref<128xi32, #tpu.memory_space<vmem>>, vector<16xi32>,
    %dma_start3A_77 = arith.constant 0 : i32
    %dma_start3A_78 = tpu.memref_slice %arg6[%select_n3A, %dma_start3A_77, %mul3A_21] : memref<2x1x2048xi32, #tpu.memory_space<hbm>> -> memref<1x1x128xi32, #tpu.memory_space<hbm>>
    %dma_start3A_79 = tpu.memref_squeeze %dma_start3A_78 : memref<1x1x128xi32, #tpu.memory_space<hbm>> -> memref<128xi32, #tpu.memory_space<hbm>>
    %dma_start3A_80 = tpu.memref_slice %arg6[%select_n3A, %dma_start3A_77, %mul3A_21] : memref<2x1x2048xi32, #tpu.memory_space<hbm>> -> memref<1x1x128xi32, #tpu.memory_space<hbm>>
    %dma_start3A_81 = tpu.memref_squeeze %dma_start3A_80 : memref<1x1x128xi32, #tpu.memory_space<hbm>> -> memref<128xi32, #tpu.memory_space<hbm>>
    tpu.enqueue_dma source(%arg10 : memref<128xi32, #tpu.memory_space<vmem>>) target(%dma_start3A_81 : memref<128xi32, #tpu.memory_space<hbm>>) target_semaphore(%arg12 : memref<!tpu.dma_semaphore, #tpu.memory_space<semaphore_mem>>)
    %dma_wait3A_82 = arith.constant 0 : i32
    %dma_wait3A_83 = tpu.memref_slice %arg6[%select_n3A, %dma_wait3A_82, %mul3A_21] : memref<2x1x2048xi32, #tpu.memory_space<hbm>> -> memref<1x1x128xi32, #tpu.memory_space<hbm>>
    %dma_wait3A_84 = tpu.memref_squeeze %dma_wait3A_83 : memref<1x1x128xi32, #tpu.memory_space<hbm>> -> memref<128xi32, #tpu.memory_space<hbm>>
    %dma_wait3A_85 = tpu.memref_slice %arg6[%select_n3A, %dma_wait3A_82, %mul3A_21] : memref<2x1x2048xi32, #tpu.memory_space<hbm>> -> memref<1x1x128xi32, #tpu.memory_space<hbm>>
    %dma_wait3A_86 = tpu.memref_squeeze %dma_wait3A_85 : memref<1x1x128xi32, #tpu.memory_space<hbm>> -> memref<128xi32, #tpu.memory_space<hbm>>
    tpu.wait_dma2 semaphore(%arg12 : memref<!tpu.dma_semaphore, #tpu.memory_space<semaphore_mem>>) src(%arg10 : memref<128xi32, #tpu.memory_space<vmem>>) dst(%dma_wait3A_86 : memref<128xi32, #tpu.memory_space<hbm>>)
    %dma_wait3A_87 = arith.constant 0 : i32
    %dma_wait3A_88 = tpu.memref_slice %arg5[%select_n3A, %mul3A_21, %dma_wait3A_87] : memref<2x2048x128xf32, #tpu.memory_space<hbm>> -> memref<1x128x128xf32, #tpu.memory_space<hbm>>
    %dma_wait3A_89 = tpu.memref_squeeze %dma_wait3A_88 : memref<1x128x128xf32, #tpu.memory_space<hbm>> -> memref<128x128xf32, #tpu.memory_space<hbm>>
    %dma_wait3A_90 = arith.constant 0 : i32
    %dma_wait3A_91 = tpu.memref_slice %arg5[%select_n3A, %mul3A_21, %dma_wait3A_90] : memref<2x2048x128xf32, #tpu.memory_space<hbm>> -> memref<1x128x128xf32, #tpu.memory_space<hbm>>
    %dma_wait3A_92 = tpu.memref_squeeze %dma_wait3A_91 : memref<1x128x128xf32, #tpu.memory_space<hbm>> -> memref<128x128xf32, #tpu.memory_space<hbm>>
    tpu.wait_dma2 semaphore(%arg11 : memref<!tpu.dma_semaphore, #tpu.memory_space<semaphore_mem>>) src(%arg8 : memref<128x128xf32, #tpu.memory_space<vmem>>) dst(%dma_wait3A_92 : memref<128x128xf32, #tpu.memory_space<hbm>>)
    return
  }
}

module attributes {stable_mosaic.version = 14 : i64} {
  func.func @_decoder_body(%arg0: i32, %arg1: memref<1x64x32x128xf32, #tpu.memory_space<vmem>>, %arg2: memref<1x2048x128xf32, #tpu.memory_space<vmem>>, %arg3: memref<1x1x2048xi32, #tpu.memory_space<vmem>>, %arg4: memref<2xi32, #tpu.memory_space<smem>>, %arg5: memref<2048x128xf32, #tpu.memory_space<vmem>>, %arg6: memref<256x128xf32, #tpu.memory_space<vmem>>, %arg7: memref<128xf32, #tpu.memory_space<vmem>>, %arg8: memref<128xf32, #tpu.memory_space<vmem>>, %arg9: memref<128x256xf32, #tpu.memory_space<vmem>>, %arg10: memref<256xf32, #tpu.memory_space<vmem>>, %arg11: memref<256x129xf32, #tpu.memory_space<vmem>>, %arg12: memref<129xf32, #tpu.memory_space<vmem>>, %arg13: memref<1x64x2048xf32, #tpu.memory_space<vmem>>) attributes {dimension_semantics = [#tpu.dimension_semantics<arbitrary>], iteration_bounds = array<i64: 2>, scalar_prefetch = 0 : i64, scratch_operands = 0 : i64, tpu.core_type = #tpu.core_type<tc>, window_params = [{transform_indices = @transform_0, window_bounds = array<i64: 1, 64, 32, 128>}, {transform_indices = @transform_1, window_bounds = array<i64: 1, 2048, 128>}, {transform_indices = @transform_2, window_bounds = array<i64: 1, 1, 2048>}, {transform_indices = @transform_3, window_bounds = array<i64: 2>}, {pipeline_mode = #tpu.pipeline_mode<synchronous>, transform_indices = @transform_4, window_bounds = array<i64: 2048, 128>}, {pipeline_mode = #tpu.pipeline_mode<synchronous>, transform_indices = @transform_5, window_bounds = array<i64: 256, 128>}, {pipeline_mode = #tpu.pipeline_mode<synchronous>, transform_indices = @transform_6, window_bounds = array<i64: 128>}, {pipeline_mode = #tpu.pipeline_mode<synchronous>, transform_indices = @transform_7, window_bounds = array<i64: 128>}, {pipeline_mode = #tpu.pipeline_mode<synchronous>, transform_indices = @transform_8, window_bounds = array<i64: 128, 256>}, {pipeline_mode = #tpu.pipeline_mode<synchronous>, transform_indices = @transform_9, window_bounds = array<i64: 256>}, {pipeline_mode = #tpu.pipeline_mode<synchronous>, transform_indices = @transform_10, window_bounds = array<i64: 256, 129>}, {pipeline_mode = #tpu.pipeline_mode<synchronous>, transform_indices = @transform_11, window_bounds = array<i64: 129>}, {transform_indices = @transform_12, window_bounds = array<i64: 1, 64, 2048>}]} {
    %iota3A = tpu.iota {dimensions = array<i32: 0>} : vector<32x2048xi32>
    %iota3A_0 = tpu.iota {dimensions = array<i32: 1>} : vector<1x256xi32>
    %get3A = arith.constant 0 : index
    %get3A_1 = vector.load %arg7[%get3A] : memref<128xf32, #tpu.memory_space<vmem>>, vector<128xf32>
    %reshape3A = vector.shape_cast %get3A_1 : vector<128xf32> to vector<1x128xf32>
    %get3A_2 = arith.constant 0 : index
    %get3A_3 = vector.load %arg8[%get3A_2] : memref<128xf32, #tpu.memory_space<vmem>>, vector<128xf32>
    %reshape3A_4 = vector.shape_cast %get3A_3 : vector<128xf32> to vector<1x128xf32>
    %get3A_5 = arith.constant 0 : index
    %get3A_6 = vector.load %arg10[%get3A_5] : memref<256xf32, #tpu.memory_space<vmem>>, vector<256xf32>
    %reshape3A_7 = vector.shape_cast %get3A_6 : vector<256xf32> to vector<1x256xf32>
    %get3A_8 = arith.constant 0 : index
    %get3A_9 = vector.load %arg12[%get3A_8] : memref<129xf32, #tpu.memory_space<vmem>>, vector<129xf32>
    %reshape3A_10 = vector.shape_cast %get3A_9 : vector<129xf32> to vector<1x129xf32>
    %get3A_11 = arith.index_cast %arg0 : i32 to index
    %get3A_12 = memref.load %arg4[%get3A_11] : memref<2xi32, #tpu.memory_space<smem>>
    %eq3A = vector.broadcast %get3A_12 : i32 to vector<1x256xi32>
    %eq3A_13 = arith.cmpi eq, %eq3A, %iota3A_0 : vector<1x256xi32>
    %convert_element_type3A = arith.extui %eq3A_13 : vector<1x256xi1> to vector<1x256xi32>
    %convert_element_type3A_14 = arith.sitofp %convert_element_type3A : vector<1x256xi32> to vector<1x256xf32>
    %get3A_15 = arith.constant 0 : index
    %get3A_16 = arith.constant 0 : index
    %get3A_17 = vector.load %arg6[%get3A_15, %get3A_16] : memref<256x128xf32, #tpu.memory_space<vmem>>, vector<256x128xf32>
    %dot_general3A = arith.constant dense<0.000000e+00> : vector<1x128xf32>
    %dot_general3A_18 = tpu.matmul %convert_element_type3A_14, %get3A_17, %dot_general3A {dimension_numbers = #tpu.dot_dimension_numbers<[1], [0], [0], [1], [0, 0, 1, 1], [], []>, transpose_lhs_hint = false} : vector<1x256xf32>, vector<256x128xf32>, vector<1x128xf32> -> vector<1x128xf32>
    %get3A_19 = arith.constant 0 : index
    %get3A_20 = arith.constant 0 : index
    %get3A_21 = vector.load %arg5[%get3A_19, %get3A_20] : memref<2048x128xf32, #tpu.memory_space<vmem>>, vector<2048x128xf32>
    %get3A_22 = arith.constant 0 : index
    %get3A_23 = arith.constant 0 : index
    %get3A_24 = arith.constant 0 : index
    %get3A_25 = vector.load %arg2[%get3A_22, %get3A_23, %get3A_24] : memref<1x2048x128xf32, #tpu.memory_space<vmem>>, vector<1x2048x128xf32>
    %get3A_26 = vector.shape_cast %get3A_25 : vector<1x2048x128xf32> to vector<2048x128xf32>
    %add3A = arith.addf %get3A_21, %get3A_26 : vector<2048x128xf32>
    %add3A_27 = vector.broadcast %dot_general3A_18 : vector<1x128xf32> to vector<2048x128xf32>
    %add3A_28 = arith.addf %add3A, %add3A_27 : vector<2048x128xf32>
    %reduce_sum3A = arith.constant dense<0.000000e+00> : vector<2048xf32>
    %reduce_sum3A_29 = vector.multi_reduction <add>, %add3A_28, %reduce_sum3A [1] : vector<2048x128xf32> to vector<2048xf32>
    %broadcast_in_dim3A = vector.shape_cast %reduce_sum3A_29 : vector<2048xf32> to vector<2048x1xf32>
    %div3A = arith.constant 1.280000e+02 : f32
    %div3A_30 = vector.broadcast %div3A : f32 to vector<2048x1xf32>
    %div3A_31 = arith.divf %broadcast_in_dim3A, %div3A_30 : vector<2048x1xf32>
    %sub3A = vector.broadcast %div3A_31 : vector<2048x1xf32> to vector<2048x128xf32>
    %sub3A_32 = arith.subf %add3A_28, %sub3A : vector<2048x128xf32>
    %mul3A = arith.mulf %sub3A_32, %sub3A_32 : vector<2048x128xf32>
    %reduce_sum3A_33 = arith.constant dense<0.000000e+00> : vector<2048xf32>
    %reduce_sum3A_34 = vector.multi_reduction <add>, %mul3A, %reduce_sum3A_33 [1] : vector<2048x128xf32> to vector<2048xf32>
    %broadcast_in_dim3A_35 = vector.shape_cast %reduce_sum3A_34 : vector<2048xf32> to vector<2048x1xf32>
    %div3A_36 = arith.constant 1.280000e+02 : f32
    %div3A_37 = vector.broadcast %div3A_36 : f32 to vector<2048x1xf32>
    %div3A_38 = arith.divf %broadcast_in_dim3A_35, %div3A_37 : vector<2048x1xf32>
    %add3A_39 = arith.constant 9.99999974E-6 : f32
    %add3A_40 = vector.broadcast %add3A_39 : f32 to vector<2048x1xf32>
    %add3A_41 = arith.addf %div3A_38, %add3A_40 : vector<2048x1xf32>
    %rsqrt3A = math.rsqrt %add3A_41 : vector<2048x1xf32>
    %mul3A_42 = vector.broadcast %rsqrt3A : vector<2048x1xf32> to vector<2048x128xf32>
    %mul3A_43 = arith.mulf %sub3A_32, %mul3A_42 : vector<2048x128xf32>
    %mul3A_44 = vector.broadcast %reshape3A : vector<1x128xf32> to vector<2048x128xf32>
    %mul3A_45 = arith.mulf %mul3A_43, %mul3A_44 : vector<2048x128xf32>
    %add3A_46 = vector.broadcast %reshape3A_4 : vector<1x128xf32> to vector<2048x128xf32>
    %add3A_47 = arith.addf %mul3A_45, %add3A_46 : vector<2048x128xf32>
    %get3A_48 = arith.constant 0 : index
    %get3A_49 = arith.constant 0 : index
    %get3A_50 = vector.load %arg9[%get3A_48, %get3A_49] : memref<128x256xf32, #tpu.memory_space<vmem>>, vector<128x256xf32>
    %dot_general3A_51 = arith.constant dense<0.000000e+00> : vector<2048x256xf32>
    %dot_general3A_52 = tpu.matmul %add3A_47, %get3A_50, %dot_general3A_51 {dimension_numbers = #tpu.dot_dimension_numbers<[1], [0], [0], [1], [0, 0, 1, 1], [], []>, transpose_lhs_hint = false} : vector<2048x128xf32>, vector<128x256xf32>, vector<2048x256xf32> -> vector<2048x256xf32>
    %add3A_53 = vector.broadcast %reshape3A_7 : vector<1x256xf32> to vector<2048x256xf32>
    %add3A_54 = arith.addf %dot_general3A_52, %add3A_53 : vector<2048x256xf32>
    %mul3A_55 = arith.constant 5.000000e-01 : f32
    %mul3A_56 = vector.broadcast %mul3A_55 : f32 to vector<2048x256xf32>
    %mul3A_57 = arith.mulf %mul3A_56, %add3A_54 : vector<2048x256xf32>
    %mul3A_58 = arith.constant 0.707106769 : f32
    %mul3A_59 = vector.broadcast %mul3A_58 : f32 to vector<2048x256xf32>
    %mul3A_60 = arith.mulf %add3A_54, %mul3A_59 : vector<2048x256xf32>
    %erf3A = math.erf %mul3A_60 : vector<2048x256xf32>
    %add3A_61 = arith.constant 1.000000e+00 : f32
    %add3A_62 = vector.broadcast %add3A_61 : f32 to vector<2048x256xf32>
    %add3A_63 = arith.addf %add3A_62, %erf3A : vector<2048x256xf32>
    %mul3A_64 = arith.mulf %mul3A_57, %add3A_63 : vector<2048x256xf32>
    %get3A_65 = arith.constant 0 : index
    %get3A_66 = arith.constant 0 : index
    %get3A_67 = vector.load %arg11[%get3A_65, %get3A_66] : memref<256x129xf32, #tpu.memory_space<vmem>>, vector<256x129xf32>
    %dot_general3A_68 = arith.constant dense<0.000000e+00> : vector<2048x129xf32>
    %dot_general3A_69 = tpu.matmul %mul3A_64, %get3A_67, %dot_general3A_68 {dimension_numbers = #tpu.dot_dimension_numbers<[1], [0], [0], [1], [0, 0, 1, 1], [], []>, transpose_lhs_hint = false} : vector<2048x256xf32>, vector<256x129xf32>, vector<2048x129xf32> -> vector<2048x129xf32>
    %add3A_70 = vector.broadcast %reshape3A_10 : vector<1x129xf32> to vector<2048x129xf32>
    %add3A_71 = arith.addf %dot_general3A_69, %add3A_70 : vector<2048x129xf32>
    %transpose3A = tpu.transpose %add3A_71, [1, 0] : vector<2048x129xf32> -> vector<129x2048xf32>
    %slice3A = vector.extract_strided_slice %transpose3A {offsets = [0, 0], sizes = [128, 2048], strides = [1, 1]} : vector<129x2048xf32> to vector<128x2048xf32>
    %slice3A_72 = vector.extract_strided_slice %transpose3A {offsets = [128, 0], sizes = [1, 2048], strides = [1, 1]} : vector<129x2048xf32> to vector<1x2048xf32>
    %get3A_73 = arith.constant 0 : index
    %get3A_74 = arith.constant 0 : index
    %get3A_75 = arith.constant 0 : index
    %get3A_76 = vector.load %arg3[%get3A_73, %get3A_74, %get3A_75] : memref<1x1x2048xi32, #tpu.memory_space<vmem>>, vector<1x1x2048xi32>
    %get3A_77 = vector.shape_cast %get3A_76 : vector<1x1x2048xi32> to vector<1x2048xi32>
    %eq3A_78 = vector.broadcast %get3A_77 : vector<1x2048xi32> to vector<32x2048xi32>
    %eq3A_79 = arith.cmpi eq, %eq3A_78, %iota3A : vector<32x2048xi32>
    %convert_element_type3A_80 = arith.extui %eq3A_79 : vector<32x2048xi1> to vector<32x2048xi32>
    %convert_element_type3A_81 = arith.sitofp %convert_element_type3A_80 : vector<32x2048xi32> to vector<32x2048xf32>
    %get3A_82 = arith.constant 0 : index
    %get3A_83 = arith.constant 0 : index
    %get3A_84 = arith.constant 0 : index
    %get3A_85 = arith.constant 0 : index
    %get3A_86 = vector.load %arg1[%get3A_82, %get3A_83, %get3A_84, %get3A_85] : memref<1x64x32x128xf32, #tpu.memory_space<vmem>>, vector<1x64x32x128xf32>
    %get3A_87 = vector.shape_cast %get3A_86 : vector<1x64x32x128xf32> to vector<64x32x128xf32>
    %reshape3A_88 = vector.shape_cast %get3A_87 : vector<64x32x128xf32> to vector<2048x128xf32>
    %dot_general3A_89 = arith.constant dense<0.000000e+00> : vector<2048x2048xf32>
    %dot_general3A_90 = tpu.matmul %reshape3A_88, %slice3A, %dot_general3A_89 {dimension_numbers = #tpu.dot_dimension_numbers<[1], [0], [0], [1], [0, 0, 1, 1], [], []>, transpose_lhs_hint = false} : vector<2048x128xf32>, vector<128x2048xf32>, vector<2048x2048xf32> -> vector<2048x2048xf32>
    %reshape3A_91 = vector.shape_cast %dot_general3A_90 : vector<2048x2048xf32> to vector<64x32x2048xf32>
    %broadcast_in_dim3A_92 = vector.shape_cast %convert_element_type3A_81 : vector<32x2048xf32> to vector<1x32x2048xf32>
    %mul3A_93 = vector.broadcast %broadcast_in_dim3A_92 : vector<1x32x2048xf32> to vector<64x32x2048xf32>
    %mul3A_94 = arith.mulf %reshape3A_91, %mul3A_93 : vector<64x32x2048xf32>
    %reduce_sum3A_95 = arith.constant dense<0.000000e+00> : vector<64x2048xf32>
    %reduce_sum3A_96 = vector.multi_reduction <add>, %mul3A_94, %reduce_sum3A_95 [1] : vector<64x32x2048xf32> to vector<64x2048xf32>
    %add3A_97 = vector.broadcast %slice3A_72 : vector<1x2048xf32> to vector<64x2048xf32>
    %add3A_98 = arith.addf %reduce_sum3A_96, %add3A_97 : vector<64x2048xf32>
    %swap3A = arith.constant 0 : index
    %swap3A_99 = arith.constant 0 : index
    %swap3A_100 = arith.constant 0 : index
    %swap3A_101 = vector.load %arg13[%swap3A, %swap3A_99, %swap3A_100] : memref<1x64x2048xf32, #tpu.memory_space<vmem>>, vector<1x64x2048xf32>
    %swap3A_102 = vector.shape_cast %swap3A_101 : vector<1x64x2048xf32> to vector<64x2048xf32>
    %swap3A_103 = vector.shape_cast %add3A_98 : vector<64x2048xf32> to vector<1x64x2048xf32>
    tpu.vector_store %arg13[%swap3A, %swap3A_99, %swap3A_100], %swap3A_103 {strides = array<i32>} : memref<1x64x2048xf32, #tpu.memory_space<vmem>>, vector<1x64x2048xf32>,
    return
  }
  func.func @transform_0(%arg0: i32) -> (i32, i32, i32, i32) {
    %c0_i32 = arith.constant 0 : i32
    %c0_i32_0 = arith.constant 0 : i32
    %c0_i32_1 = arith.constant 0 : i32
    %c0_i32_2 = arith.constant 0 : i32
    return %arg0, %c0_i32, %c0_i32_0, %c0_i32_1 : i32, i32, i32, i32
  }
  func.func @transform_1(%arg0: i32) -> (i32, i32, i32) {
    %c0_i32 = arith.constant 0 : i32
    %c0_i32_0 = arith.constant 0 : i32
    %c0_i32_1 = arith.constant 0 : i32
    return %arg0, %c0_i32, %c0_i32_0 : i32, i32, i32
  }
  func.func @transform_2(%arg0: i32) -> (i32, i32, i32) {
    %c0_i32 = arith.constant 0 : i32
    %c0_i32_0 = arith.constant 0 : i32
    %c0_i32_1 = arith.constant 0 : i32
    return %arg0, %c0_i32, %c0_i32_0 : i32, i32, i32
  }
  func.func @transform_3(%arg0: i32) -> i32 {
    %c0_i32 = arith.constant 0 : i32
    %c0_i32_0 = arith.constant 0 : i32
    return %c0_i32 : i32
  }
  func.func @transform_4(%arg0: i32) -> (i32, i32) {
    %c0_i32 = arith.constant 0 : i32
    %c0_i32_0 = arith.constant 0 : i32
    %c0_i32_1 = arith.constant 0 : i32
    return %c0_i32, %c0_i32_0 : i32, i32
  }
  func.func @transform_5(%arg0: i32) -> (i32, i32) {
    %c0_i32 = arith.constant 0 : i32
    %c0_i32_0 = arith.constant 0 : i32
    %c0_i32_1 = arith.constant 0 : i32
    return %c0_i32, %c0_i32_0 : i32, i32
  }
  func.func @transform_6(%arg0: i32) -> i32 {
    %c0_i32 = arith.constant 0 : i32
    %c0_i32_0 = arith.constant 0 : i32
    return %c0_i32 : i32
  }
  func.func @transform_7(%arg0: i32) -> i32 {
    %c0_i32 = arith.constant 0 : i32
    %c0_i32_0 = arith.constant 0 : i32
    return %c0_i32 : i32
  }
  func.func @transform_8(%arg0: i32) -> (i32, i32) {
    %c0_i32 = arith.constant 0 : i32
    %c0_i32_0 = arith.constant 0 : i32
    %c0_i32_1 = arith.constant 0 : i32
    return %c0_i32, %c0_i32_0 : i32, i32
  }
  func.func @transform_9(%arg0: i32) -> i32 {
    %c0_i32 = arith.constant 0 : i32
    %c0_i32_0 = arith.constant 0 : i32
    return %c0_i32 : i32
  }
  func.func @transform_10(%arg0: i32) -> (i32, i32) {
    %c0_i32 = arith.constant 0 : i32
    %c0_i32_0 = arith.constant 0 : i32
    %c0_i32_1 = arith.constant 0 : i32
    return %c0_i32, %c0_i32_0 : i32, i32
  }
  func.func @transform_11(%arg0: i32) -> i32 {
    %c0_i32 = arith.constant 0 : i32
    %c0_i32_0 = arith.constant 0 : i32
    return %c0_i32 : i32
  }
  func.func @transform_12(%arg0: i32) -> (i32, i32, i32) {
    %c0_i32 = arith.constant 0 : i32
    %c0_i32_0 = arith.constant 0 : i32
    %c0_i32_1 = arith.constant 0 : i32
    return %arg0, %c0_i32, %c0_i32_0 : i32, i32, i32
  }
}

</mosaic_0001>

<sc_bundles>
// kernel: kernel.4.cloned.1.call-start
scs
__scs_entry_jumppad:
0x0: {  	(pc) =	sbr.rel $0x88, $3  }
0x1: {  	(tag) =	ssettag $0x0;
	lr =	simm.s32 $0x1  }
0x2: {  	[smem:$0x3F94] =	sst lr;
	_ =	strace $0xD0000000  }
0x3: {  	_ = 	snop  }
0x4: {  	_ = 	snop  }
0x5: {  	_ = 	snop  }
0x6: {  	_ = 	snop  }
0x7: {  	_ = 	snop  }
__scs_overlays_trampoline_lowered:
0x8: {  	[smem:$0x3FA3] =	sst s0  }
0x9: {  	[smem:$0x3FA4] =	sst s1  }
0xa: {  	[smem:$0x3FA5] =	sst s2  }
0xb: {  	[smem:$0x3FA6] =	sst s3  }
0xc: {  	[smem:$0x3FA7] =	sst s4  }
0xd: {  	[smem:$0x3FA8] =	sst s5  }
0xe: {  	[smem:$0x3FA9] =	sst s6  }
0xf: {  	[smem:$0x3FAA] =	sst s7  }
0x10: {  	[smem:$0x3FAB] =	sst s8  }
0x11: {  	[smem:$0x3FAC] =	sst s9;
	s0 =	simm.s32 @!p0 $0x0  }
0x12: {  	s1 =	sld [smem:$0x3F92];
	s0 =	simm.s32 @p0 $0x1  }
0x13: {  	[smem:$0x3FAD] =	sst s0;
	s0 =	simm.s32 @!p1 $0x0  }
0x14: {  	s2 =	sld [smem:$0x3F91];
	s0 =	simm.s32 @p1 $0x1  }
0x15: {  	[smem:$0x3FAE] =	sst s0;
	s0 =	simm.s32 @!p2 $0x0  }
0x16: {  	s3 =	sld [smem:$0x3FDB];
	s0 =	simm.s32 @p2 $0x1  }
0x17: {  	s4 =	simm.s32 $0x1BF5;
	[smem:$0x3FB0] =	sst s0  }
0x18: {  	s0 =	sld [smem:$0x3F93];
	_ =	swait.ge [sflag:s4], $0x0  }
0x19: {  	s7 =	sld [smem:$0x3F94]  }
0x1a: {  	s8 =	sadd.s32 $0xFFFFE003, lr  }
0x1b: {  	s9 =	sadd.s32 $0xFFFFFEF7, lr;
	s5 =	simm.s32 $0xFFFFFFFF;
	p2 =	slt.u32 s8, $0xFFFFF086  }
0x1c: {  	p1 =	slt.u32 s9, $0xF7A;
	s5 =	simm.s32 @!p2 $0x0  }
0x1d: {  	s5 =	simm.s32 @p1 $0x1;
	p0 =	seq.s32 s7, s2  }
0x1e: {  	s7 =	smul.u32 @!p0 $0xF7A, s2;
	p2 =	seq.s32 @!p0 s5, $0x0  }
0x1f: {  	s9 =	smul.u32 $0xF7A, s1;
	s8 =	simm.s32 @!p0 $0x1BF5;
	p2 =	por !p2, p0  }
0x20: {  	[sflag:s8] =	ssyncset.s32 @!p0 $0xFFFFF086;
	s6 =	sadd.s32 @!p0 s3, s7;
	s7 =	simm.s32 @!p0 $0x108  }
0x21: {  	s3 =	sadd.s32 s3, s9;
	s6 =	sadd.s32 @!p0 $0x88, s6;
	s7 =	simm.s32 @p2 $0x1082  }
0x22: {  	[simem:s7], [sflag:s8] =	dma.local @!p0 [hbm:s6], $0xF7A  }
0x23: {  	s9 =	sor.u32 $0xD0000000, s2;
	s6 =	simm.s32 $0x108;
	_ =	swait.ge @!p0 [sflag:s8], $0x0  }
0x24: {  	s3 =	sadd.s32 $0x88, s3;
	s6 =	simm.s32 @!p1 $0x1082;
	[sflag:s4] =	ssyncset.s32 $0xFFFFF086  }
0x25: {  	[simem:s6], [sflag:s4] =	dma.local [hbm:s3], $0xF7A  }
0x26: {  	[smem:$0x3F94] =	sst s1;
	(tag) =	ssettag s2;
	_ =	strace s9  }
0x27: {  	s1 =	sld [smem:$0x3FA4]  }
0x28: {  	s2 =	sld [smem:$0x3FA5]  }
0x29: {  	s4 =	sld [smem:$0x3FA7]  }
0x2a: {  	p0 =	seq.s32 s5, $0x0;
	s5 =	sld [smem:$0x3FA8]  }
0x2b: {  	s6 =	sld [smem:$0x3FA9]  }
0x2c: {  	s7 =	sld [smem:$0x3FAA]  }
0x2d: {  	s3 =	simm.s32 $0x108;
	s8 =	sld [smem:$0x3FAB]  }
0x2e: {  	s3 =	simm.s32 @!p0 $0x1082;
	s9 =	sld [smem:$0x3FAC]  }
0x2f: {  	lr =	sadd.s32 s0, s3;
	s0 =	sld [smem:$0x3FA3]  }
0x30: {  	s3 =	sld [smem:$0x3FA6]  }
0x31: {  	[smem:$0x3FAF] =	sst s10  }
0x32: {  	s10 =	sld [smem:$0x3FAD];
	_ =	sdelay $0x3  }
0x33: {  	p0 =	seq.s32 s10, $0x1;
	s10 =	sld [smem:$0x3FAF];
	_ =	sdelay $0x3  }
0x34: {  	[smem:$0x3FAF] =	sst s10  }
0x35: {  	s10 =	sld [smem:$0x3FAE];
	_ =	sdelay $0x3  }
0x36: {  	p1 =	seq.s32 s10, $0x1;
	s10 =	sld [smem:$0x3FAF];
	_ =	sdelay $0x3  }
0x37: {  	[smem:$0x3FAF] =	sst s10  }
0x38: {  	s10 =	sld [smem:$0x3FB0]  }
0x39: {  	_ = 	snop;
	(pc) =	sbr.ind lr, $3  }
0x3a: {  	_ = 	snop  }
0x3b: {  	_ = 	snop  }
0x3c: {  	p2 =	seq.s32 s10, $0x1;
	s10 =	sld [smem:$0x3FAF]  }
0x3d: {  	_ =	shalt  }
0x3e: {  	_ =	shalt  }
0x3f: {  	_ =	shalt  }
0x40: {  	_ =	shalt  }
0x41: {  	_ =	shalt  }
0x42: {  	_ =	shalt  }
0x43: {  	_ =	shalt  }
0x44: {  	_ =	shalt  }
0x45: {  	_ =	shalt  }
0x46: {  	_ =	shalt  }
0x47: {  	_ =	shalt  }
0x48: {  	_ =	shalt  }
0x49: {  	_ =	shalt  }
0x4a: {  	_ =	shalt  }
0x4b: {  	_ =	shalt  }
0x4c: {  	_ =	shalt  }
0x4d: {  	_ =	shalt  }
0x4e: {  	_ =	shalt  }
0x4f: {  	_ =	shalt  }
0x50: {  	_ =	shalt  }
0x51: {  	_ =	shalt  }
0x52: {  	_ =	shalt  }
0x53: {  	_ =	shalt  }
0x54: {  	_ =	shalt  }
0x55: {  	_ =	shalt  }
0x56: {  	_ =	shalt  }
0x57: {  	_ =	shalt  }
0x58: {  	_ =	shalt  }
0x59: {  	_ =	shalt  }
0x5a: {  	_ =	shalt  }
0x5b: {  	_ =	shalt  }
0x5c: {  	_ =	shalt  }
0x5d: {  	_ =	shalt  }
0x5e: {  	_ =	shalt  }
0x5f: {  	_ =	shalt  }
0x60: {  	_ =	shalt  }
0x61: {  	_ =	shalt  }
0x62: {  	_ =	shalt  }
0x63: {  	_ =	shalt  }
0x64: {  	_ =	shalt  }
0x65: {  	_ =	shalt  }
0x66: {  	_ =	shalt  }
0x67: {  	_ =	shalt  }
0x68: {  	_ =	shalt  }
0x69: {  	_ =	shalt  }
0x6a: {  	_ =	shalt  }
0x6b: {  	_ =	shalt  }
0x6c: {  	_ =	shalt  }
0x6d: {  	_ =	shalt  }
0x6e: {  	_ =	shalt  }
0x6f: {  	_ =	shalt  }
0x70: {  	_ =	shalt  }
0x71: {  	_ =	shalt  }
0x72: {  	_ =	shalt  }
0x73: {  	_ =	shalt  }
0x74: {  	_ =	shalt  }
0x75: {  	_ =	shalt  }
0x76: {  	_ =	shalt  }
0x77: {  	_ =	shalt  }
0x78: {  	_ =	shalt  }
0x79: {  	_ =	shalt  }
0x7a: {  	_ =	shalt  }
0x7b: {  	_ =	shalt  }
0x7c: {  	_ =	shalt  }
0x7d: {  	_ =	shalt  }
0x7e: {  	_ =	shalt  }
0x7f: {  	_ =	shalt  }
0x80: {  	_ =	shalt  }
0x81: {  	_ =	shalt  }
0x82: {  	_ =	shalt  }
0x83: {  	_ =	shalt  }
0x84: {  	_ =	shalt  }
0x85: {  	_ =	shalt  }
0x86: {  	_ =	shalt  }
0x87: {  	_ =	shalt  }
.Lfunc_end0:
.L_simem_size_0:
called_computation_lowered:
.L_overlay_start_0:
0x88: {  	s2 =	sld [smem:$0x3FD9]  }
0x89: {  	s3 =	sld [smem:$0x3FFE];
	_ =	sdelay $0x1  }
0x8a: {  	s1 =	srdreg.scid  }
0x8b: {  	s0 =	sand.u32 $0x1, s1  }
0x8c: {  	s17 =	sshll.u32 s0, $0xA;
	s2 =	sadd.s32 s3, s2  }
0x8d: {  	s2 =	sadd.s32 s2, s17  }
0x8e: {  	[smem:$0x3FBB] =	sst s2  }
0x8f: {  	_ = 	snop  }
0x90: {  	s2 =	sld [smem:$0x3FC8]  }
0x91: {  	s18 =	sld [smem:$0x3FC6]  }
0x92: {  	s4 =	sld [smem:$0x3FC4]  }
0x93: {  	s5 =	sld [smem:$0x3FD0];
	(tm) =	ssettm $0x1  }
0x94: {  	s6 =	sld [smem:$0x3FFB];
	_ =	sdelay $0x3  }
0x95: {  	_ =	strace s6  }
0x96: {  	s6 =	sld [smem:$0x3FFC];
	_ =	sdelay $0x3  }
0x97: {  	_ =	strace s6  }
0x98: {  	s6 =	sld [smem:$0x3FFD];
	_ =	sdelay $0x3  }
0x99: {  	_ =	strace s6  }
0x9a: {  	_ =	strace $0x8FFFFFFF  }
0x9b: {  	s19 =	sld [smem:$0x3FDB];
	_ =	sdelay $0x1  }
0x9c: {  	s7 =	simm.s32 $_scs_section_size  }
0x9d: {  	s8 =	simm.s32 $_size__tile_overlayer_lowered;
	s9 =	simm.s32 $_tile_overlayer_lowered  }
0x9e: {  	s22 =	simm.s32 $0x1BFF;
	s21 =	sshll.u32 s9, $0x1;
	s6 =	sadd.s32 s7, s19  }
0x9f: {  	s10 =	simm.s32 $0x0;
	s20 =	sshll.u32 s8, $0x1;
	s8 =	sadd.s32 s21, s6  }
0xa0: {  	[timem:s10], [sflag:s22] =	dma.local [hbm:s8], s20  }
0xa1: {  	_ =	swait.ge [sflag:s22], s20  }
0xa2: {  	s7 =	ssub.s32 $0x0, s20;
	[sflag:s22] =	ssyncset.done $0x0  }
0xa3: {  	[sflag:s22] =	ssyncadd.s32 s7;
	_ =	sdelay $0x1  }
0xa4: {  	s23 =	simm.s32 $0x1B8B  }
0xa5: {  	_ =	swait.ge [sflag:s23], $0x1  }
0xa6: {  	[sflag:s23] =	ssyncset.done $0x0  }
0xa7: {  	s25 =	simm.s32 $0x1B8E;
	s24 =	sld [smem:$0x3FFE];
	[sflag:s23] =	ssyncadd.s32 $0xFFFFFFFF  }
0xa8: {  	s26 =	simm.s32 $execute0_lowered;
	[smem:$0x3FD2] =	sst s25  }
0xa9: {  	s8 =	sshll.u32 s26, $0x1;
	_ =	strace $0x80000046;
	[dreg:$0x1] =	wrdreg $0xFFFFFFFF  }
0xaa: {  	s28 =	simm.s32 $_size_execute0_lowered;
	s6 =	sadd.s32 s6, s8;
	[dreg:$0x0] =	wrdreg $0x0  }
0xab: {  	s8 =	sshll.u32 s28, $0x1;
	[dreg:$0x2] =	wrdreg s6  }
0xac: {  	[dreg:$0x3] =	wrdreg s8  }
0xad: {  	[dreg:$0x4] =	wrdreg $0xC0  }
0xae: {  	_ =	task [dreg:s10], $0x5FFFF  }
0xaf: {  	[dreg:$0x1] =	wrdreg $0xFFFFFFFF  }
0xb0: {  	[dreg:$0x0] =	wrdreg $0x60  }
0xb1: {  	[dreg:$0x2] =	wrdreg s2  }
0xb2: {  	[dreg:$0x3] =	wrdreg s4  }
0xb3: {  	[dreg:$0x4] =	wrdreg s18  }
0xb4: {  	[dreg:$0x5] =	wrdreg s24  }
0xb5: {  	[dreg:$0x6] =	wrdreg s5  }
0xb6: {  	[dreg:$0x7] =	wrdreg $0x9  }
0xb7: {  	_ =	task.clear_ibuf [dreg:s10], $0x8FFFF;
	_ =	strace $0x90000046  }
0xb8: {  	s29 =	simm.s32 $0x9;
	_ =	strace $0x80000048  }
0xb9: {  	_ =	swait.ge [sflag:s29], $0x1  }
0xba: {  	[sflag:s29] =	ssyncadd.s32 $0xFFFFFFFF  }
0xbb: {  	_ =	strace $0x90000048  }
0xbc: {  	_ =	sfence  }
0xbd: {  	s30 =	sld [smem:$0x0];
	_ =	sdelay $0x2  }
0xbe: {  	s31 =	sshll.u32 s1, $0xD;
	s1 =	sshrl.u32 s1, $0x2  }
0xbf: {  	s3 =	sand.u32 $0x4000, s31;
	s1 =	sadd.s32 s1, s30  }
0xc0: {  	s0 =	sor.u32 s3, s0;
	s1 =	sshll.u32 s1, $0x11  }
0xc1: {  	s0 =	sor.u32 s1, s0  }
0xc2: {  	s0 =	sadd.s32 $0x8F2B, s0  }
0xc3: {  	[sflag:s0] =	ssyncadd.remote.s32 $0x1  }
0xc4: {  	_ =	sfence.sel $0xFFFF  }
0xc5: {  	[dreg:$0x0] =	wrdreg $0xFFFFFFFF;
	(pc) =	sbr.abs _section_cstart, $3  }
0xc6: {  	[dreg:$0x1] =	wrdreg $0xFFFFFFFF  }
0xc7: {  	_ =	task.clear_ibuf [dreg:s10], $0x2FFFF;
	_ =	strace $0x9FFFFFFF  }
0xc8: {  	(tm) =	ssettm $0x7FFFFFFF  }
0xc9: {  	_ =	shalt  }
tec
execute0_lowered:
.L_overlay_start_1:
0x0: {  	(tag) =	ssettag $0x1  }
0x1: {  	s2 =	srdreg.scid  }
0x2: {  	s5 =	rddreg [dreg:$0x0];
	s0 =	stileid.u32;
	s12 =	sand.u32 $0x1, s2  }
0x3: {  	s8 =	sshrl.u32 s0, $0x3;
	s3 =	sshll.u32 s0, $0x8;
	s4 =	sshll.u32 s12, $0x7  }
0x4: {  	s1 =	rddreg [dreg:$0x1];
	s6 =	sshll.u32 s8, $0xB;
	s13 =	sor.u32 s4, s3  }
0x5: {  	s10 =	rddreg [dreg:$0x3];
	s9 =	ssub.s32 s13, s6  }
0x6: {  	s14 =	rddreg [dreg:$0x4];
	s7 =	sshll.u32 s8, $0x7;
	s6 =	sshll.u32 s9, $0x1  }
0x7: {  	s2 =	rddreg [dreg:$0x2];
	s4 =	simm.s32 $0x0;
	s6 =	sor.u32 s7, s6  }
0x8: {  	[smem:$0x7FF] =	sst s4;
	s6 =	sshrl.u32 s6, $0x3  }
0x9: {  	s3 =	rddreg [dreg:$0x5];
	_ =	strace $0x80000047;
	s5 =	sadd.s32 s5, s6  }
0xa: {  	[tilespmem:s4], [sflag:$0x1] =	stream.linear.gather [hbm4b:s5+s4], $0x80, $0x38;
	[tilespmem:$0x4180] =	vst v63  }
0xb: {  	s7 =	simm.s32 $0x4080;
	s6 =	simm.s32 $0x1  }
0xc: {  	[tilespmem:s7], [sflag:$0x2] =	stream.linear.gather [hbm4b:s2+s4], $0x80, $0x38;
	[tilespmem:$0x4180] =	vst v63  }
0xd: {  	s8 =	sshll.u32 s8, $0x12;
	s9 =	sshll.u32 s9, $0x7;
	_ =	swait.ge [sflag:s6], $0x80  }
0xe: {  	s11 =	sadd.s32 s8, s9;
	[sflag:s6] =	ssyncset.done $0x0  }
0xf: {  	s8 =	simm.s32 $0x80;
	s9 =	simm.s32 $0x3;
	[sflag:s6] =	ssyncadd.s32 $0xFFFFFF80  }
0x10: {  	[tilespmem:s8], [sflag:$0x3] =	stream.indirect.gather [hbm4b:s1+s8], $0x80, s4, s8, $0xb8;
	[tilespmem:$0x4180] =	vst v63  }
0x11: {  	s11 =	sshrl.u32 s11, $0x3;
	_ =	swait.ge [sflag:s9], $0x4000  }
0x12: {  	s10 =	sadd.s32 s11, s10;
	[sflag:s9] =	ssyncset.done $0x0  }
0x13: {  	s11 =	simm.s32 $0x2;
	s10 =	sadd.s32 $0x1C00, s10;
	[sflag:s9] =	ssyncadd.s32 $0xFFFFC000  }
0x14: {  	[hbm4b:s10+s4] =	stream.linear.scatter [tilespmem:s8], [sflag:$0x1], $0x4000, $0x38;
	[tilespmem:$0x4180] =	vst v63  }
0x15: {  	_ =	swait.ge [sflag:s11], $0x80  }
0x16: {  	[sflag:s11] =	ssyncset.done $0x0  }
0x17: {  	[sflag:s11] =	ssyncadd.s32 $0xFFFFFF80  }
0x18: {  	v0 =	vld [tilespmem:$0x0];
	_ =	sdelay $0x5  }
0x19: {  	v1 =	vld [tilespmem:$0x10];
	_ =	sdelay $0x1  }
0x1a: {  	v0 =	vld.idx.msk [tilespmem:v0+s7+$0x0], $0xffff;
	_ =	sdelay $0x3  }
0x1b: {  	v2 =	vld [tilespmem:$0x20]  }
0x1c: {  	[tilespmem:$0x4100] =	vst v0  }
0x1d: {  	v0 =	vld.idx.msk [tilespmem:v1+s7+$0x0], $0xffff;
	_ =	sdelay $0x3  }
0x1e: {  	v59 =	vld [tilespmem:$0x30]  }
0x1f: {  	[tilespmem:$0x4110] =	vst v0  }
0x20: {  	v0 =	vld.idx.msk [tilespmem:v2+s7+$0x0], $0xffff;
	_ =	sdelay $0x3  }
0x21: {  	v60 =	vld [tilespmem:$0x40]  }
0x22: {  	[tilespmem:$0x4120] =	vst v0  }
0x23: {  	v0 =	vld.idx.msk [tilespmem:v59+s7+$0x0], $0xffff;
	_ =	sdelay $0x3  }
0x24: {  	v61 =	vld [tilespmem:$0x50]  }
0x25: {  	[tilespmem:$0x4130] =	vst v0  }
0x26: {  	v0 =	vld.idx.msk [tilespmem:v60+s7+$0x0], $0xffff;
	_ =	sdelay $0x3  }
0x27: {  	v62 =	vld [tilespmem:$0x60]  }
0x28: {  	[tilespmem:$0x4140] =	vst v0  }
0x29: {  	v0 =	vld.idx.msk [tilespmem:v61+s7+$0x0], $0xffff;
	_ =	sdelay $0x3  }
0x2a: {  	v63 =	vld [tilespmem:$0x70]  }
0x2b: {  	[tilespmem:$0x4150] =	vst v0  }
0x2c: {  	v0 =	vld.idx.msk [tilespmem:v62+s7+$0x0], $0xffff;
	_ =	sdelay $0x4  }
0x2d: {  	[tilespmem:$0x4160] =	vst v0  }
0x2e: {  	v0 =	vld.idx.msk [tilespmem:v63+s7+$0x0], $0xffff  }
0x2f: {  	s15 =	ssub.s32 $0x2, s12  }
0x30: {  	s31 =	sshrl.u32 s15, $0x1;
	s13 =	sshrl.u32 s13, $0x3  }
0x31: {  	s12 =	sadd.s32 s14, s13;
	s14 =	ssub.s32 s15, s31  }
0x32: {  	s14 =	smax.u32 s14, $0x1  }
0x33: {  	s13 =	simm.s32 $0x4100;
	p0 =	sne.s32 s14, $0x1;
	[tilespmem:$0x4170] =	vst v0  }
0x34: {  	[hbm4b:s12+s4] =	stream.linear.scatter [tilespmem:s13], [sflag:$0x2], $0x80, $0x38;
	[tilespmem:$0x4180] =	vst v63  }
.Ltmp0:
0x35: {  	_ =	swait.ge [sflag:s11], $0x80;
	(pc) =	sbr.rel @!p0 .LBB2_2-.Ltmp0, $4  }
0x36: {  	[sflag:s11] =	ssyncset.done $0x0  }
0x37: {  	[sflag:s11] =	ssyncadd.s32 $0xFFFFFF80  }
0x38: {  	_ =	swait.ge [sflag:s6], $0x4000  }
0x39: {  	s14 =	sadd.s32 $0xFFFFFFFF, s14;
	[sflag:s6] =	ssyncset.done $0x0  }
.LBB2_1:
0x3a: {  	p0 =	sne.s32 s14, $0x1;
	s14 =	sadd.s32 $0xFFFFFFFF, s14;
	[sflag:s6] =	ssyncadd.s32 $0xFFFFC000  }
0x3b: {  	[tilespmem:s4], [sflag:$0x1] =	stream.linear.gather [hbm4b:s5+s4], $0x80, $0x38;
	[tilespmem:$0x4180] =	vst v63  }
0x3c: {  	_ = 	snop  }
0x3d: {  	[tilespmem:s7], [sflag:$0x2] =	stream.linear.gather [hbm4b:s2+s4], $0x80, $0x38;
	[tilespmem:$0x4180] =	vst v63  }
0x3e: {  	_ =	swait.ge [sflag:s6], $0x80  }
0x3f: {  	[sflag:s6] =	ssyncset.done $0x0  }
0x40: {  	[sflag:s6] =	ssyncadd.s32 $0xFFFFFF80  }
0x41: {  	[tilespmem:s8], [sflag:$0x3] =	stream.indirect.gather [hbm4b:s1+s8], $0x80, s4, s8, $0xb8;
	[tilespmem:$0x4180] =	vst v63  }
0x42: {  	_ =	swait.ge [sflag:s9], $0x4000  }
0x43: {  	[sflag:s9] =	ssyncset.done $0x0  }
0x44: {  	[sflag:s9] =	ssyncadd.s32 $0xFFFFC000  }
0x45: {  	[hbm4b:s10+s4] =	stream.linear.scatter [tilespmem:s8], [sflag:$0x1], $0x4000, $0x38;
	[tilespmem:$0x4180] =	vst v63  }
0x46: {  	_ =	swait.ge [sflag:s11], $0x80  }
0x47: {  	[sflag:s11] =	ssyncset.done $0x0  }
0x48: {  	[sflag:s11] =	ssyncadd.s32 $0xFFFFFF80  }
0x49: {  	v0 =	vld [tilespmem:$0x0];
	_ =	sdelay $0x6  }
0x4a: {  	v1 =	vld [tilespmem:$0x10]  }
0x4b: {  	v0 =	vld.idx.msk [tilespmem:v0+s7+$0x0], $0xffff;
	_ =	sdelay $0x5  }
0x4c: {  	[tilespmem:$0x4100] =	vst v0;
	v0 =	vld [tilespmem:$0x20]  }
0x4d: {  	v1 =	vld.idx.msk [tilespmem:v1+s7+$0x0], $0xffff;
	_ =	sdelay $0x5  }
0x4e: {  	[tilespmem:$0x4110] =	vst v1;
	v1 =	vld [tilespmem:$0x30]  }
0x4f: {  	v0 =	vld.idx.msk [tilespmem:v0+s7+$0x0], $0xffff;
	_ =	sdelay $0x5  }
0x50: {  	[tilespmem:$0x4120] =	vst v0;
	v0 =	vld [tilespmem:$0x40]  }
0x51: {  	v1 =	vld.idx.msk [tilespmem:v1+s7+$0x0], $0xffff;
	_ =	sdelay $0x5  }
0x52: {  	[tilespmem:$0x4130] =	vst v1;
	v1 =	vld [tilespmem:$0x50]  }
0x53: {  	v0 =	vld.idx.msk [tilespmem:v0+s7+$0x0], $0xffff;
	_ =	sdelay $0x5  }
0x54: {  	[tilespmem:$0x4140] =	vst v0;
	v0 =	vld [tilespmem:$0x60]  }
0x55: {  	v1 =	vld.idx.msk [tilespmem:v1+s7+$0x0], $0xffff;
	_ =	sdelay $0x5  }
0x56: {  	[tilespmem:$0x4150] =	vst v1;
	v1 =	vld [tilespmem:$0x70]  }
0x57: {  	v0 =	vld.idx.msk [tilespmem:v0+s7+$0x0], $0xffff;
	_ =	sdelay $0x5  }
0x58: {  	[tilespmem:$0x4160] =	vst v0  }
0x59: {  	v0 =	vld.idx.msk [tilespmem:v1+s7+$0x0], $0xffff;
	_ =	sdelay $0x5  }
0x5a: {  	[tilespmem:$0x4170] =	vst v0  }
0x5b: {  	[hbm4b:s12+s4] =	stream.linear.scatter [tilespmem:s13], [sflag:$0x2], $0x80, $0x38;
	[tilespmem:$0x4180] =	vst v63  }
.Ltmp1:
0x5c: {  	_ =	swait.ge [sflag:s11], $0x80;
	(pc) =	sbr.rel @p0 .LBB2_1-.Ltmp1, $4  }
0x5d: {  	[sflag:s11] =	ssyncset.done $0x0  }
0x5e: {  	[sflag:s11] =	ssyncadd.s32 $0xFFFFFF80  }
0x5f: {  	_ =	swait.ge [sflag:s6], $0x4000  }
0x60: {  	[sflag:s6] =	ssyncset.done $0x0  }
.LBB2_2:
0x61: {  	[sflag:s6] =	ssyncadd.s32 $0xFFFFC000  }
0x62: {  	_ =	sfence.sel $0x180000  }
0x63: {  	[bflag:$0x0] =	sbarrier.arrive $0xFFFF  }
0x64: {  	p0 =	sne.s32 s0, $0x0;
	_ =	strace $0x90000047  }
0x65: {  	s0 =	sadd.s32 @!p0 $0x100000, s3;
	[bflag:$0x2] =	sbarrier.arrive $0xFFFF  }
0x66: {  	[sflag:s0] =	ssyncadd.tile.s32 @!p0 $0x1;
	_ =	shalt  }
.Lfunc_end2:
_tile_overlayer_lowered:
.L_overlay_start_2:
0x67: {  	(tag) =	ssettag $0x2  }
0x68: {  	s0 =	rddreg [dreg:$0x0];
	s2 =	stileid.u32  }
0x69: {  	s1 =	rddreg [dreg:$0x1];
	p0 =	sne.s32 s2, $0x0  }
0x6a: {  	s3 =	rddreg [dreg:$0x2];
	[bflag:$0x3] =	sbarrier.arrive $0xFFFF;
	s2 =	simm.s32 @!p0 $0x1C04  }
0x6b: {  	[timem:s3], [sflag:s2] =	dma.local @!p0 [hbm:s0], s1  }
0x6c: {  	s0 =	simm.s32 @!p0 $0x4  }
0x6d: {  	_ =	swait.ge @!p0 [sflag:s0], s1  }
0x6e: {  	s1 =	ssub.s32 @!p0 $0x0, s1;
	[sflag:s0] =	ssyncset.done @!p0 $0x0  }
0x6f: {  	[sflag:s0] =	ssyncadd.s32 @!p0 s1  }
0x70: {  	[bflag:$0x3] =	sbarrier.arrive $0xFFFF  }
0x71: {  	_ =	shalt  }

</sc_bundles>
